<compile_context>
chip_gen: v7x
topology: tpu7x:2x2x1
jax: 0.10.2.dev20260603
libtpu: 0.0.44.dev20260713+nightly
codegen_flags: <defaults>
</compile_context>

<pallas_src>
import functools

import jax
import jax.numpy as jnp
from jax import lax
from jax.experimental import pallas as pl
from jax.experimental.pallas import tpu as pltpu
from jax.experimental.pallas import tpu_sc as plsc

N_NODES_ = 10000
N_EDGES_ = 320000
EDGE_D = 16
NODE_D = 128
HID = 512
OUTD = 512

NC = 2
NS = 16
NW = NC * NS
EDGES_PER_W = N_EDGES_ // NW
CHUNK = 80
NCHUNK = EDGES_PER_W // CHUNK
N_PAD = 10240
ROWS_PER_TILE = N_PAD // NS


def _sc_segment_sum(edge_c, recv_c, out_hbm, acc, idx_v, rows_a, rows_b,
                    zrow_v, sem_a, sem_b, sem_sa, sem_sb):
    cid = lax.axis_index("c")
    sid = lax.axis_index("s")
    wid = sid * NC + cid
    base = wid * NCHUNK

    z16 = jnp.zeros((16,), jnp.float32)

    def zbody(i, _):
        zrow_v[i] = z16
        return _

    lax.fori_loop(0, ROWS_PER_TILE, zbody, None)
    pltpu.sync_copy(zrow_v, acc.at[pl.ds(sid * ROWS_PER_TILE, ROWS_PER_TILE)])

    pltpu.sync_copy(recv_c.at[pl.ds(wid * EDGES_PER_W, EDGES_PER_W)], idx_v)
    plsc.subcore_barrier()

    def _chunk(j):
        return pl.ds((base + j) * CHUNK, CHUNK)

    npairs = (NCHUNK - 1) // 2

    def _scat_a(ja):
        return pltpu.make_async_copy(
            rows_a, acc.at[plsc.Indices(idx_v.at[pl.ds(ja * CHUNK, CHUNK)])],
            sem_sa)

    def _scat_b(jb):
        return pltpu.make_async_copy(
            rows_b, acc.at[plsc.Indices(idx_v.at[pl.ds(jb * CHUNK, CHUNK)])],
            sem_sb)

    pltpu.make_async_copy(edge_c.at[_chunk(0)], rows_a, sem_a).start()
    pltpu.make_async_copy(edge_c.at[_chunk(1)], rows_b, sem_b).start()

    def pair(p, _):
        ja = 2 * p
        pltpu.make_async_copy(edge_c.at[_chunk(ja)], rows_a, sem_a).wait()
        _scat_a(ja).start(add=True)
        pltpu.make_async_copy(edge_c.at[_chunk(ja + 1)], rows_b, sem_b).wait()
        _scat_b(ja + 1).start(add=True)
        _scat_a(ja).wait()
        pltpu.make_async_copy(edge_c.at[_chunk(ja + 2)], rows_a, sem_a).start()
        _scat_b(ja + 1).wait()

        @pl.when(p < npairs - 1)
        def _():
            pltpu.make_async_copy(edge_c.at[_chunk(ja + 3)], rows_b,
                                  sem_b).start()

        return _

    lax.fori_loop(0, npairs, pair, None)
    pltpu.make_async_copy(edge_c.at[_chunk(NCHUNK - 1)], rows_a, sem_a).wait()
    pltpu.sync_copy(
        rows_a,
        acc.at[plsc.Indices(idx_v.at[pl.ds((NCHUNK - 1) * CHUNK, CHUNK)])],
        add=True)
    plsc.subcore_barrier()

    sl = pl.ds(sid * ROWS_PER_TILE, ROWS_PER_TILE)
    osl = pl.ds(cid * N_PAD + sid * ROWS_PER_TILE, ROWS_PER_TILE)
    pltpu.sync_copy(acc.at[sl], out_hbm.at[osl])


def _segment_sum_partials(edge_rows, receiver):
    edge_c = edge_rows
    recv_c = receiver
    mesh = plsc.VectorSubcoreMesh(core_axis_name="c", subcore_axis_name="s")
    fn = pl.kernel(
        _sc_segment_sum,
        out_type=jax.ShapeDtypeStruct((NC * N_PAD, EDGE_D), jnp.float32),
        mesh=mesh,
        compiler_params=pltpu.CompilerParams(use_tc_tiling_on_sc=False),
        scratch_types=[
            pltpu.VMEM_SHARED((N_PAD, EDGE_D), jnp.float32),
            pltpu.VMEM((EDGES_PER_W,), jnp.int32),
            pltpu.VMEM((CHUNK, EDGE_D), jnp.float32),
            pltpu.VMEM((CHUNK, EDGE_D), jnp.float32),
            pltpu.VMEM((ROWS_PER_TILE, EDGE_D), jnp.float32),
            pltpu.SemaphoreType.DMA,
            pltpu.SemaphoreType.DMA,
            pltpu.SemaphoreType.DMA,
            pltpu.SemaphoreType.DMA,
        ],
    )
    return fn(edge_c, recv_c).reshape(NC, N_PAD, EDGE_D)[:, :N_NODES_]


def _mlp_body(node_ref, e0_ref, e1_ref, w1n_ref, w1e_ref, b1_ref, w2_ref,
              b2_ref, g_ref, bb_ref, out_ref):
    es = e0_ref[...] + e1_ref[...]
    h = jnp.dot(node_ref[...], w1n_ref[...],
                preferred_element_type=jnp.float32)
    h = h + jnp.dot(es, w1e_ref[...], preferred_element_type=jnp.float32)
    h = h + b1_ref[...]
    h = h * jax.nn.sigmoid(h)
    y = jnp.dot(h, w2_ref[...], preferred_element_type=jnp.float32)
    y = y + b2_ref[...]
    mu = jnp.mean(y, axis=-1, keepdims=True)
    yc = y - mu
    var = jnp.mean(yc * yc, axis=-1, keepdims=True)
    out_ref[...] = yc * lax.rsqrt(var + 1e-5) * g_ref[...] + bb_ref[...]


def _mlp(node2d, e0, e1, w1n, w1e, b1, w2, b2, g, bb):
    BM = 400
    grid = N_NODES_ // BM
    return pl.pallas_call(
        _mlp_body,
        grid=(grid,),
        in_specs=[
            pl.BlockSpec((BM, NODE_D), lambda i: (i, 0)),
            pl.BlockSpec((BM, EDGE_D), lambda i: (i, 0)),
            pl.BlockSpec((BM, EDGE_D), lambda i: (i, 0)),
            pl.BlockSpec((NODE_D, HID), lambda i: (0, 0)),
            pl.BlockSpec((EDGE_D, HID), lambda i: (0, 0)),
            pl.BlockSpec((1, HID), lambda i: (0, 0)),
            pl.BlockSpec((HID, OUTD), lambda i: (0, 0)),
            pl.BlockSpec((1, OUTD), lambda i: (0, 0)),
            pl.BlockSpec((1, OUTD), lambda i: (0, 0)),
            pl.BlockSpec((1, OUTD), lambda i: (0, 0)),
        ],
        out_specs=pl.BlockSpec((BM, OUTD), lambda i: (i, 0)),
        out_shape=jax.ShapeDtypeStruct((N_NODES_, OUTD), jnp.float32),
    )(node2d, e0, e1, w1n, w1e, b1, w2, b2, g, bb)


@jax.jit
def kernel(node, edge_index, edge_attr, W1, b1, W2, b2, ln_g, ln_b):
    b, n_nodes, node_d = node.shape
    receiver = edge_index[1]
    edge_rows = edge_attr.reshape(-1, EDGE_D)

    parts = _segment_sum_partials(edge_rows, receiver)
    e0 = parts[0]
    e1 = parts[1]

    w1n = W1[:, :NODE_D].T
    w1e = W1[:, NODE_D:].T
    out = _mlp(node.reshape(n_nodes, node_d), e0, e1, w1n, w1e,
               b1.reshape(1, HID), W2.T, b2.reshape(1, OUTD),
               ln_g.reshape(1, OUTD), ln_b.reshape(1, OUTD))
    return out.reshape(b, n_nodes, OUTD)

# --- scband reference (transcript-rebuilt; emitter-appended) ---
"""Pipeline reference for scband-node-mlp-11991548690715 (READ-ONLY COPY).

The authoritative reference and input builder live on the scoring server;
editing this copy changes nothing except your own understanding.
"""

import jax, jax.numpy as jnp
import numpy as np

B = 1
N_NODES = 10000
N_EDGES = 320000
NODE_DIM = 128
EDGE_DIM = 16
HIDDEN = 512
OUT = 512
IN_DIM = NODE_DIM + EDGE_DIM


def _uniform(key, shape, fan_in):
    bound = 1.0 / np.sqrt(fan_in)
    return jax.random.uniform(key, shape, minval=-bound, maxval=bound, dtype=jnp.float32)


def setup_inputs(seed: int = 0) -> dict:
    key = jax.random.key(seed)
    ks = jax.random.split(key, 10)
    node = jax.random.normal(ks[0], (B, N_NODES, NODE_DIM), dtype=jnp.float32)
    edge_index = jax.random.randint(ks[1], (2, N_EDGES), 0, N_NODES, dtype=jnp.int32)
    edge_attr = jax.random.normal(ks[2], (B, N_EDGES, EDGE_DIM), dtype=jnp.float32)
    # MLP parameters: Linear(IN_DIM->HIDDEN), SiLU, Linear(HIDDEN->OUT), LayerNorm(OUT)
    W1 = _uniform(ks[3], (HIDDEN, IN_DIM), IN_DIM)
    b1 = _uniform(ks[4], (HIDDEN,), IN_DIM)
    W2 = _uniform(ks[5], (OUT, HIDDEN), HIDDEN)
    b2 = _uniform(ks[6], (OUT,), HIDDEN)
    ln_g = jnp.ones((OUT,), dtype=jnp.float32)
    ln_b = jnp.zeros((OUT,), dtype=jnp.float32)
    return {"node": node, "edge_index": edge_index, "edge_attr": edge_attr,
            "W1": W1, "b1": b1, "W2": W2, "b2": b2, "ln_g": ln_g, "ln_b": ln_b}


def reference(node, edge_index, edge_attr, W1, b1, W2, b2, ln_g, ln_b):
    n_nodes = node.shape[1]
    receiver = edge_index[1]
    # scatter_add edge_attr into nodes along dim=1 (per receiver node)
    edge_sum = jax.vmap(lambda ea: jax.ops.segment_sum(ea, receiver, num_segments=n_nodes))(edge_attr)
    x = jnp.concatenate([node, edge_sum], axis=-1)
    h = jax.nn.silu(x @ W1.T + b1)
    y = h @ W2.T + b2
    mu = jnp.mean(y, axis=-1, keepdims=True)
    var = jnp.var(y, axis=-1, keepdims=True)
    out = (y - mu) / jnp.sqrt(var + 1e-5) * ln_g + ln_b
    return out

if __name__ == "__main__":
    import jax
    _d = setup_inputs()
    print(jax.jit(kernel)(*tuple(_d.values())))

</pallas_src>

<mosaic_0001>
#map = affine_map<(d0, d1) -> (0, 0)>
#map1 = affine_map<(d0, d1) -> (0)>
module attributes {stable_mosaic.version = 14 : i64} {
  func.func @_sc_segment_sum(%arg0: i32, %arg1: i32, %arg2: memref<320000x16xf32, #tpu.memory_space<hbm>>, %arg3: memref<320000xi32, #tpu.memory_space<hbm>>, %arg4: memref<20480x16xf32, #tpu.memory_space<hbm>>, %arg5: memref<10240x16xf32, #tpu.memory_space<vmem_shared>>, %arg6: memref<10000xi32, #tpu.memory_space<vmem>>, %arg7: memref<80x16xf32, #tpu.memory_space<vmem>>, %arg8: memref<80x16xf32, #tpu.memory_space<vmem>>, %arg9: memref<640x16xf32, #tpu.memory_space<vmem>>, %arg10: memref<!tpu.dma_semaphore, #tpu.memory_space<semaphore_mem>>, %arg11: memref<!tpu.dma_semaphore, #tpu.memory_space<semaphore_mem>>, %arg12: memref<!tpu.dma_semaphore, #tpu.memory_space<semaphore_mem>>, %arg13: memref<!tpu.dma_semaphore, #tpu.memory_space<semaphore_mem>>) attributes {dimension_semantics = [#tpu.dimension_semantics<core_parallel>, #tpu.dimension_semantics<subcore_parallel>], iteration_bounds = array<i64: 2, 16>, scalar_prefetch = 0 : i64, scratch_operands = 9 : i64, tpu.core_type = #tpu.core_type<sc_vector_subcore>, window_params = [{transform_indices = #map}, {transform_indices = #map1}, {transform_indices = #map}]} {
    %mul3A = arith.constant 2 : i32
    %mul3A_0 = arith.muli %arg1, %mul3A : i32
    %add3A = arith.addi %mul3A_0, %arg0 : i32
    %mul3A_1 = arith.constant 125 : i32
    %mul3A_2 = arith.muli %add3A, %mul3A_1 : i32
    %broadcast_in_dim3A = arith.constant 0.000000e+00 : f32
    %broadcast_in_dim3A_3 = vector.broadcast %broadcast_in_dim3A : f32 to vector<16xf32>
    %scan3A = arith.constant 0 : i32
    %scan3A_4 = arith.constant 640 : i32
    %scan3A_5 = arith.addi %scan3A, %scan3A_4 : i32
    %scan3A_6 = arith.constant 1 : i32
    scf.for %scan3A_47 = %scan3A to %scan3A_5 step %scan3A_6  : i32 {
      %swap3A = arith.index_cast %scan3A_47 : i32 to index
      %swap3A_48 = arith.constant 0 : index
      %swap3A_49 = tpu.vector_load %arg9[%swap3A, %swap3A_48] {strides = array<i32>} : memref<640x16xf32, #tpu.memory_space<vmem>>, vector<1x16xf32>,
      %swap3A_50 = vector.shape_cast %swap3A_49 : vector<1x16xf32> to vector<16xf32>
      %swap3A_51 = vector.shape_cast %broadcast_in_dim3A_3 : vector<16xf32> to vector<1x16xf32>
      tpu.vector_store %arg9[%swap3A, %swap3A_48], %swap3A_51 {strides = array<i32>} : memref<640x16xf32, #tpu.memory_space<vmem>>, vector<1x16xf32>,
    }
    %scan3A_7 = arith.constant 640 : i32
    %mul3A_8 = arith.constant 640 : i32
    %mul3A_9 = arith.muli %arg1, %mul3A_8 : i32
    "tpu.region"() ({
      %run_scoped3A = tpu.sem_alloc : memref<!tpu.dma_semaphore, #tpu.memory_space<semaphore_mem>>
      %dma_start3A_47 = arith.constant 0 : i32
      %dma_start3A_48 = tpu.memref_slice %arg5[%mul3A_9, %dma_start3A_47] : memref<10240x16xf32, #tpu.memory_space<vmem_shared>> -> memref<640x16xf32, #tpu.memory_space<vmem_shared>>
      %dma_start3A_49 = arith.constant 0 : i32
      %dma_start3A_50 = tpu.memref_slice %arg5[%mul3A_9, %dma_start3A_49] : memref<10240x16xf32, #tpu.memory_space<vmem_shared>> -> memref<640x16xf32, #tpu.memory_space<vmem_shared>>
      tpu.enqueue_dma source(%arg9 : memref<640x16xf32, #tpu.memory_space<vmem>>) target(%dma_start3A_50 : memref<640x16xf32, #tpu.memory_space<vmem_shared>>) target_semaphore(%run_scoped3A : memref<!tpu.dma_semaphore, #tpu.memory_space<semaphore_mem>>)
      %dma_wait3A_51 = arith.constant 0 : i32
      %dma_wait3A_52 = tpu.memref_slice %arg5[%mul3A_9, %dma_wait3A_51] : memref<10240x16xf32, #tpu.memory_space<vmem_shared>> -> memref<640x16xf32, #tpu.memory_space<vmem_shared>>
      %dma_wait3A_53 = arith.constant 0 : i32
      %dma_wait3A_54 = tpu.memref_slice %arg5[%mul3A_9, %dma_wait3A_53] : memref<10240x16xf32, #tpu.memory_space<vmem_shared>> -> memref<640x16xf32, #tpu.memory_space<vmem_shared>>
      tpu.wait_dma2 semaphore(%run_scoped3A : memref<!tpu.dma_semaphore, #tpu.memory_space<semaphore_mem>>) src(%arg9 : memref<640x16xf32, #tpu.memory_space<vmem>>) dst(%dma_wait3A_54 : memref<640x16xf32, #tpu.memory_space<vmem_shared>>)
      tpu.yield
    }) : () -> ()
    %mul3A_10 = arith.constant 10000 : i32
    %mul3A_11 = arith.muli %add3A, %mul3A_10 : i32
    "tpu.region"() ({
      %run_scoped3A = tpu.sem_alloc : memref<!tpu.dma_semaphore, #tpu.memory_space<semaphore_mem>>
      %dma_start3A_47 = tpu.memref_slice %arg3[%mul3A_11] : memref<320000xi32, #tpu.memory_space<hbm>> -> memref<10000xi32, #tpu.memory_space<hbm>>
      %dma_start3A_48 = tpu.memref_slice %arg3[%mul3A_11] : memref<320000xi32, #tpu.memory_space<hbm>> -> memref<10000xi32, #tpu.memory_space<hbm>>
      tpu.enqueue_dma source(%dma_start3A_48 : memref<10000xi32, #tpu.memory_space<hbm>>) target(%arg6 : memref<10000xi32, #tpu.memory_space<vmem>>) target_semaphore(%run_scoped3A : memref<!tpu.dma_semaphore, #tpu.memory_space<semaphore_mem>>)
      %dma_wait3A_49 = tpu.memref_slice %arg3[%mul3A_11] : memref<320000xi32, #tpu.memory_space<hbm>> -> memref<10000xi32, #tpu.memory_space<hbm>>
      %dma_wait3A_50 = tpu.memref_slice %arg3[%mul3A_11] : memref<320000xi32, #tpu.memory_space<hbm>> -> memref<10000xi32, #tpu.memory_space<hbm>>
      tpu.wait_dma2 semaphore(%run_scoped3A : memref<!tpu.dma_semaphore, #tpu.memory_space<semaphore_mem>>) src(%dma_wait3A_50 : memref<10000xi32, #tpu.memory_space<hbm>>) dst(%arg6 : memref<10000xi32, #tpu.memory_space<vmem>>)
      tpu.yield
    }) : () -> ()
    %barrier3A = arith.constant 0 : index
    tpu.barrier barrier_id(%barrier3A)
    %add3A_12 = arith.constant 0 : i32
    %add3A_13 = arith.addi %mul3A_2, %add3A_12 : i32
    %mul3A_14 = arith.constant 80 : i32
    %mul3A_15 = arith.muli %add3A_13, %mul3A_14 : i32
    %dma_start3A = arith.constant 0 : i32
    %dma_start3A_16 = tpu.memref_slice %arg2[%mul3A_15, %dma_start3A] : memref<320000x16xf32, #tpu.memory_space<hbm>> -> memref<80x16xf32, #tpu.memory_space<hbm>>
    %dma_start3A_17 = arith.constant 0 : i32
    %dma_start3A_18 = tpu.memref_slice %arg2[%mul3A_15, %dma_start3A_17] : memref<320000x16xf32, #tpu.memory_space<hbm>> -> memref<80x16xf32, #tpu.memory_space<hbm>>
    tpu.enqueue_dma source(%dma_start3A_18 : memref<80x16xf32, #tpu.memory_space<hbm>>) target(%arg7 : memref<80x16xf32, #tpu.memory_space<vmem>>) target_semaphore(%arg10 : memref<!tpu.dma_semaphore, #tpu.memory_space<semaphore_mem>>)
    %add3A_19 = arith.constant 1 : i32
    %add3A_20 = arith.addi %mul3A_2, %add3A_19 : i32
    %mul3A_21 = arith.constant 80 : i32
    %mul3A_22 = arith.muli %add3A_20, %mul3A_21 : i32
    %dma_start3A_23 = arith.constant 0 : i32
    %dma_start3A_24 = tpu.memref_slice %arg2[%mul3A_22, %dma_start3A_23] : memref<320000x16xf32, #tpu.memory_space<hbm>> -> memref<80x16xf32, #tpu.memory_space<hbm>>
    %dma_start3A_25 = arith.constant 0 : i32
    %dma_start3A_26 = tpu.memref_slice %arg2[%mul3A_22, %dma_start3A_25] : memref<320000x16xf32, #tpu.memory_space<hbm>> -> memref<80x16xf32, #tpu.memory_space<hbm>>
    tpu.enqueue_dma source(%dma_start3A_26 : memref<80x16xf32, #tpu.memory_space<hbm>>) target(%arg8 : memref<80x16xf32, #tpu.memory_space<vmem>>) target_semaphore(%arg11 : memref<!tpu.dma_semaphore, #tpu.memory_space<semaphore_mem>>)
    %scan3A_27 = arith.constant 0 : i32
    %scan3A_28 = arith.constant 62 : i32
    %scan3A_29 = arith.addi %scan3A_27, %scan3A_28 : i32
    %scan3A_30 = arith.constant 1 : i32
    scf.for %scan3A_47 = %scan3A_27 to %scan3A_29 step %scan3A_30  : i32 {
      %mul3A_48 = arith.constant 2 : i32
      %mul3A_49 = arith.muli %mul3A_48, %scan3A_47 : i32
      %add3A_50 = arith.addi %mul3A_2, %mul3A_49 : i32
      %mul3A_51 = arith.constant 80 : i32
      %mul3A_52 = arith.muli %add3A_50, %mul3A_51 : i32
      %dma_wait3A_53 = arith.constant 0 : i32
      %dma_wait3A_54 = tpu.memref_slice %arg2[%mul3A_52, %dma_wait3A_53] : memref<320000x16xf32, #tpu.memory_space<hbm>> -> memref<80x16xf32, #tpu.memory_space<hbm>>
      %dma_wait3A_55 = arith.constant 0 : i32
      %dma_wait3A_56 = tpu.memref_slice %arg2[%mul3A_52, %dma_wait3A_55] : memref<320000x16xf32, #tpu.memory_space<hbm>> -> memref<80x16xf32, #tpu.memory_space<hbm>>
      tpu.wait_dma2 semaphore(%arg10 : memref<!tpu.dma_semaphore, #tpu.memory_space<semaphore_mem>>) src(%dma_wait3A_56 : memref<80x16xf32, #tpu.memory_space<hbm>>) dst(%arg7 : memref<80x16xf32, #tpu.memory_space<vmem>>)
      %mul3A_57 = arith.constant 80 : i32
      %mul3A_58 = arith.muli %mul3A_49, %mul3A_57 : i32
      %dma_start3A_59 = tpu.memref_slice %arg6[%mul3A_58] : memref<10000xi32, #tpu.memory_space<vmem>> -> memref<80xi32, #tpu.memory_space<vmem>>
      %dma_start3A_60 = arith.constant 0 : i32
      %dma_start3A_61 = arith.constant 0 : i32
      %dma_start3A_62 = tpu.memref_slice %arg5[%dma_start3A_60, %dma_start3A_61] : memref<10240x16xf32, #tpu.memory_space<vmem_shared>> -> memref<10240x16xf32, #tpu.memory_space<vmem_shared>>
      tpu.enqueue_indirect_dma source(%arg7 : memref<80x16xf32, #tpu.memory_space<vmem>>) target(%dma_start3A_62 : memref<10240x16xf32, #tpu.memory_space<vmem_shared>>) offsets(%dma_start3A_59 : memref<80xi32, #tpu.memory_space<vmem>>) semaphore(%arg12 : memref<!tpu.dma_semaphore, #tpu.memory_space<semaphore_mem>>) {add = true}
      %add3A_63 = arith.constant 1 : i32
      %add3A_64 = arith.addi %mul3A_49, %add3A_63 : i32
      %add3A_65 = arith.addi %mul3A_2, %add3A_64 : i32
      %mul3A_66 = arith.constant 80 : i32
      %mul3A_67 = arith.muli %add3A_65, %mul3A_66 : i32
      %dma_wait3A_68 = arith.constant 0 : i32
      %dma_wait3A_69 = tpu.memref_slice %arg2[%mul3A_67, %dma_wait3A_68] : memref<320000x16xf32, #tpu.memory_space<hbm>> -> memref<80x16xf32, #tpu.memory_space<hbm>>
      %dma_wait3A_70 = arith.constant 0 : i32
      %dma_wait3A_71 = tpu.memref_slice %arg2[%mul3A_67, %dma_wait3A_70] : memref<320000x16xf32, #tpu.memory_space<hbm>> -> memref<80x16xf32, #tpu.memory_space<hbm>>
      tpu.wait_dma2 semaphore(%arg11 : memref<!tpu.dma_semaphore, #tpu.memory_space<semaphore_mem>>) src(%dma_wait3A_71 : memref<80x16xf32, #tpu.memory_space<hbm>>) dst(%arg8 : memref<80x16xf32, #tpu.memory_space<vmem>>)
      %add3A_72 = arith.constant 1 : i32
      %add3A_73 = arith.addi %mul3A_49, %add3A_72 : i32
      %mul3A_74 = arith.constant 80 : i32
      %mul3A_75 = arith.muli %add3A_73, %mul3A_74 : i32
      %dma_start3A_76 = tpu.memref_slice %arg6[%mul3A_75] : memref<10000xi32, #tpu.memory_space<vmem>> -> memref<80xi32, #tpu.memory_space<vmem>>
      %dma_start3A_77 = arith.constant 0 : i32
      %dma_start3A_78 = arith.constant 0 : i32
      %dma_start3A_79 = tpu.memref_slice %arg5[%dma_start3A_77, %dma_start3A_78] : memref<10240x16xf32, #tpu.memory_space<vmem_shared>> -> memref<10240x16xf32, #tpu.memory_space<vmem_shared>>
      tpu.enqueue_indirect_dma source(%arg8 : memref<80x16xf32, #tpu.memory_space<vmem>>) target(%dma_start3A_79 : memref<10240x16xf32, #tpu.memory_space<vmem_shared>>) offsets(%dma_start3A_76 : memref<80xi32, #tpu.memory_space<vmem>>) semaphore(%arg13 : memref<!tpu.dma_semaphore, #tpu.memory_space<semaphore_mem>>) {add = true}
      %mul3A_80 = arith.constant 80 : i32
      %mul3A_81 = arith.muli %mul3A_49, %mul3A_80 : i32
      %dma_wait3A_82 = tpu.memref_slice %arg6[%mul3A_81] : memref<10000xi32, #tpu.memory_space<vmem>> -> memref<80xi32, #tpu.memory_space<vmem>>
      %dma_wait3A_83 = arith.constant 0 : i32
      %dma_wait3A_84 = arith.constant 0 : i32
      %dma_wait3A_85 = tpu.memref_slice %arg5[%dma_wait3A_83, %dma_wait3A_84] : memref<10240x16xf32, #tpu.memory_space<vmem_shared>> -> memref<10240x16xf32, #tpu.memory_space<vmem_shared>>
      tpu.wait_indirect_dma semaphore(%arg12 : memref<!tpu.dma_semaphore, #tpu.memory_space<semaphore_mem>>) src(%arg7 : memref<80x16xf32, #tpu.memory_space<vmem>>) dst(%dma_wait3A_85 : memref<10240x16xf32, #tpu.memory_space<vmem_shared>>)
      %add3A_86 = arith.constant 2 : i32
      %add3A_87 = arith.addi %mul3A_49, %add3A_86 : i32
      %add3A_88 = arith.addi %mul3A_2, %add3A_87 : i32
      %mul3A_89 = arith.constant 80 : i32
      %mul3A_90 = arith.muli %add3A_88, %mul3A_89 : i32
      %dma_start3A_91 = arith.constant 0 : i32
      %dma_start3A_92 = tpu.memref_slice %arg2[%mul3A_90, %dma_start3A_91] : memref<320000x16xf32, #tpu.memory_space<hbm>> -> memref<80x16xf32, #tpu.memory_space<hbm>>
      %dma_start3A_93 = arith.constant 0 : i32
      %dma_start3A_94 = tpu.memref_slice %arg2[%mul3A_90, %dma_start3A_93] : memref<320000x16xf32, #tpu.memory_space<hbm>> -> memref<80x16xf32, #tpu.memory_space<hbm>>
      tpu.enqueue_dma source(%dma_start3A_94 : memref<80x16xf32, #tpu.memory_space<hbm>>) target(%arg7 : memref<80x16xf32, #tpu.memory_space<vmem>>) target_semaphore(%arg10 : memref<!tpu.dma_semaphore, #tpu.memory_space<semaphore_mem>>)
      %add3A_95 = arith.constant 1 : i32
      %add3A_96 = arith.addi %mul3A_49, %add3A_95 : i32
      %mul3A_97 = arith.constant 80 : i32
      %mul3A_98 = arith.muli %add3A_96, %mul3A_97 : i32
      %dma_wait3A_99 = tpu.memref_slice %arg6[%mul3A_98] : memref<10000xi32, #tpu.memory_space<vmem>> -> memref<80xi32, #tpu.memory_space<vmem>>
      %dma_wait3A_100 = arith.constant 0 : i32
      %dma_wait3A_101 = arith.constant 0 : i32
      %dma_wait3A_102 = tpu.memref_slice %arg5[%dma_wait3A_100, %dma_wait3A_101] : memref<10240x16xf32, #tpu.memory_space<vmem_shared>> -> memref<10240x16xf32, #tpu.memory_space<vmem_shared>>
      tpu.wait_indirect_dma semaphore(%arg13 : memref<!tpu.dma_semaphore, #tpu.memory_space<semaphore_mem>>) src(%arg8 : memref<80x16xf32, #tpu.memory_space<vmem>>) dst(%dma_wait3A_102 : memref<10240x16xf32, #tpu.memory_space<vmem_shared>>)
      %lt3A = arith.constant 61 : i32
      %lt3A_103 = arith.cmpi slt, %scan3A_47, %lt3A : i32
      %convert_element_type3A = arith.extui %lt3A_103 : i1 to i32
      %cond3A = arith.constant 0 : i32
      %cond3A_104 = arith.cmpi ne, %convert_element_type3A, %cond3A : i32
      scf.if %cond3A_104 {
        %add3A_105 = arith.constant 3 : i32
        %add3A_106 = arith.addi %mul3A_49, %add3A_105 : i32
        %add3A_107 = arith.addi %mul3A_2, %add3A_106 : i32
        %mul3A_108 = arith.constant 80 : i32
        %mul3A_109 = arith.muli %add3A_107, %mul3A_108 : i32
        %dma_start3A_110 = arith.constant 0 : i32
        %dma_start3A_111 = tpu.memref_slice %arg2[%mul3A_109, %dma_start3A_110] : memref<320000x16xf32, #tpu.memory_space<hbm>> -> memref<80x16xf32, #tpu.memory_space<hbm>>
        %dma_start3A_112 = arith.constant 0 : i32
        %dma_start3A_113 = tpu.memref_slice %arg2[%mul3A_109, %dma_start3A_112] : memref<320000x16xf32, #tpu.memory_space<hbm>> -> memref<80x16xf32, #tpu.memory_space<hbm>>
        tpu.enqueue_dma source(%dma_start3A_113 : memref<80x16xf32, #tpu.memory_space<hbm>>) target(%arg8 : memref<80x16xf32, #tpu.memory_space<vmem>>) target_semaphore(%arg11 : memref<!tpu.dma_semaphore, #tpu.memory_space<semaphore_mem>>)
      } else {
      }
    }
    %scan3A_31 = arith.constant 62 : i32
    %add3A_32 = arith.constant 124 : i32
    %add3A_33 = arith.addi %mul3A_2, %add3A_32 : i32
    %mul3A_34 = arith.constant 80 : i32
    %mul3A_35 = arith.muli %add3A_33, %mul3A_34 : i32
    %dma_wait3A = arith.constant 0 : i32
    %dma_wait3A_36 = tpu.memref_slice %arg2[%mul3A_35, %dma_wait3A] : memref<320000x16xf32, #tpu.memory_space<hbm>> -> memref<80x16xf32, #tpu.memory_space<hbm>>
    %dma_wait3A_37 = arith.constant 0 : i32
    %dma_wait3A_38 = tpu.memref_slice %arg2[%mul3A_35, %dma_wait3A_37] : memref<320000x16xf32, #tpu.memory_space<hbm>> -> memref<80x16xf32, #tpu.memory_space<hbm>>
    tpu.wait_dma2 semaphore(%arg10 : memref<!tpu.dma_semaphore, #tpu.memory_space<semaphore_mem>>) src(%dma_wait3A_38 : memref<80x16xf32, #tpu.memory_space<hbm>>) dst(%arg7 : memref<80x16xf32, #tpu.memory_space<vmem>>)
    "tpu.region"() ({
      %run_scoped3A = tpu.sem_alloc : memref<!tpu.dma_semaphore, #tpu.memory_space<semaphore_mem>>
      %dma_start3A_47 = arith.constant 9920 : i32
      %dma_start3A_48 = tpu.memref_slice %arg6[%dma_start3A_47] : memref<10000xi32, #tpu.memory_space<vmem>> -> memref<80xi32, #tpu.memory_space<vmem>>
      %dma_start3A_49 = arith.constant 0 : i32
      %dma_start3A_50 = arith.constant 0 : i32
      %dma_start3A_51 = tpu.memref_slice %arg5[%dma_start3A_49, %dma_start3A_50] : memref<10240x16xf32, #tpu.memory_space<vmem_shared>> -> memref<10240x16xf32, #tpu.memory_space<vmem_shared>>
      tpu.enqueue_indirect_dma source(%arg7 : memref<80x16xf32, #tpu.memory_space<vmem>>) target(%dma_start3A_51 : memref<10240x16xf32, #tpu.memory_space<vmem_shared>>) offsets(%dma_start3A_48 : memref<80xi32, #tpu.memory_space<vmem>>) semaphore(%run_scoped3A : memref<!tpu.dma_semaphore, #tpu.memory_space<semaphore_mem>>) {add = true}
      %dma_wait3A_52 = arith.constant 9920 : i32
      %dma_wait3A_53 = tpu.memref_slice %arg6[%dma_wait3A_52] : memref<10000xi32, #tpu.memory_space<vmem>> -> memref<80xi32, #tpu.memory_space<vmem>>
      %dma_wait3A_54 = arith.constant 0 : i32
      %dma_wait3A_55 = arith.constant 0 : i32
      %dma_wait3A_56 = tpu.memref_slice %arg5[%dma_wait3A_54, %dma_wait3A_55] : memref<10240x16xf32, #tpu.memory_space<vmem_shared>> -> memref<10240x16xf32, #tpu.memory_space<vmem_shared>>
      tpu.wait_indirect_dma semaphore(%run_scoped3A : memref<!tpu.dma_semaphore, #tpu.memory_space<semaphore_mem>>) src(%arg7 : memref<80x16xf32, #tpu.memory_space<vmem>>) dst(%dma_wait3A_56 : memref<10240x16xf32, #tpu.memory_space<vmem_shared>>)
      tpu.yield
    }) : () -> ()
    %barrier3A_39 = arith.constant 0 : index
    tpu.barrier barrier_id(%barrier3A_39)
    %mul3A_40 = arith.constant 640 : i32
    %mul3A_41 = arith.muli %arg1, %mul3A_40 : i32
    %mul3A_42 = arith.constant 10240 : i32
    %mul3A_43 = arith.muli %arg0, %mul3A_42 : i32
    %mul3A_44 = arith.constant 640 : i32
    %mul3A_45 = arith.muli %arg1, %mul3A_44 : i32
    %add3A_46 = arith.addi %mul3A_43, %mul3A_45 : i32
    "tpu.region"() ({
      %run_scoped3A = tpu.sem_alloc : memref<!tpu.dma_semaphore, #tpu.memory_space<semaphore_mem>>
      %dma_start3A_47 = arith.constant 0 : i32
      %dma_start3A_48 = tpu.memref_slice %arg4[%add3A_46, %dma_start3A_47] : memref<20480x16xf32, #tpu.memory_space<hbm>> -> memref<640x16xf32, #tpu.memory_space<hbm>>
      %dma_start3A_49 = arith.constant 0 : i32
      %dma_start3A_50 = tpu.memref_slice %arg5[%mul3A_41, %dma_start3A_49] : memref<10240x16xf32, #tpu.memory_space<vmem_shared>> -> memref<640x16xf32, #tpu.memory_space<vmem_shared>>
      tpu.enqueue_dma source(%dma_start3A_50 : memref<640x16xf32, #tpu.memory_space<vmem_shared>>) target(%dma_start3A_48 : memref<640x16xf32, #tpu.memory_space<hbm>>) target_semaphore(%run_scoped3A : memref<!tpu.dma_semaphore, #tpu.memory_space<semaphore_mem>>)
      %dma_wait3A_51 = arith.constant 0 : i32
      %dma_wait3A_52 = tpu.memref_slice %arg4[%add3A_46, %dma_wait3A_51] : memref<20480x16xf32, #tpu.memory_space<hbm>> -> memref<640x16xf32, #tpu.memory_space<hbm>>
      %dma_wait3A_53 = arith.constant 0 : i32
      %dma_wait3A_54 = tpu.memref_slice %arg5[%mul3A_41, %dma_wait3A_53] : memref<10240x16xf32, #tpu.memory_space<vmem_shared>> -> memref<640x16xf32, #tpu.memory_space<vmem_shared>>
      tpu.wait_dma2 semaphore(%run_scoped3A : memref<!tpu.dma_semaphore, #tpu.memory_space<semaphore_mem>>) src(%dma_wait3A_54 : memref<640x16xf32, #tpu.memory_space<vmem_shared>>) dst(%dma_wait3A_52 : memref<640x16xf32, #tpu.memory_space<hbm>>)
      tpu.yield
    }) : () -> ()
    return
  }
}

module attributes {stable_mosaic.version = 14 : i64} {
  func.func @_mlp_body(%arg0: i32, %arg1: memref<400x128xf32, #tpu.memory_space<vmem>>, %arg2: memref<400x16xf32, #tpu.memory_space<vmem>>, %arg3: memref<400x16xf32, #tpu.memory_space<vmem>>, %arg4: memref<128x512xf32, #tpu.memory_space<vmem>>, %arg5: memref<16x512xf32, #tpu.memory_space<vmem>>, %arg6: memref<1x512xf32, #tpu.memory_space<vmem>>, %arg7: memref<512x512xf32, #tpu.memory_space<vmem>>, %arg8: memref<1x512xf32, #tpu.memory_space<vmem>>, %arg9: memref<1x512xf32, #tpu.memory_space<vmem>>, %arg10: memref<1x512xf32, #tpu.memory_space<vmem>>, %arg11: memref<400x512xf32, #tpu.memory_space<vmem>>) attributes {dimension_semantics = [#tpu.dimension_semantics<arbitrary>], iteration_bounds = array<i64: 25>, scalar_prefetch = 0 : i64, scratch_operands = 0 : i64, tpu.core_type = #tpu.core_type<tc>, window_params = [{transform_indices = @transform_0, window_bounds = array<i64: 400, 128>}, {transform_indices = @transform_1, window_bounds = array<i64: 400, 16>}, {transform_indices = @transform_2, window_bounds = array<i64: 400, 16>}, {pipeline_mode = #tpu.pipeline_mode<synchronous>, transform_indices = @transform_3, window_bounds = array<i64: 128, 512>}, {pipeline_mode = #tpu.pipeline_mode<synchronous>, transform_indices = @transform_4, window_bounds = array<i64: 16, 512>}, {pipeline_mode = #tpu.pipeline_mode<synchronous>, transform_indices = @transform_5, window_bounds = array<i64: 1, 512>}, {pipeline_mode = #tpu.pipeline_mode<synchronous>, transform_indices = @transform_6, window_bounds = array<i64: 512, 512>}, {pipeline_mode = #tpu.pipeline_mode<synchronous>, transform_indices = @transform_7, window_bounds = array<i64: 1, 512>}, {pipeline_mode = #tpu.pipeline_mode<synchronous>, transform_indices = @transform_8, window_bounds = array<i64: 1, 512>}, {pipeline_mode = #tpu.pipeline_mode<synchronous>, transform_indices = @transform_9, window_bounds = array<i64: 1, 512>}, {transform_indices = @transform_10, window_bounds = array<i64: 400, 512>}]} {
    %get3A = arith.constant 0 : index
    %get3A_0 = arith.constant 0 : index
    %get3A_1 = vector.load %arg2[%get3A, %get3A_0] : memref<400x16xf32, #tpu.memory_space<vmem>>, vector<400x16xf32>
    %get3A_2 = arith.constant 0 : index
    %get3A_3 = arith.constant 0 : index
    %get3A_4 = vector.load %arg3[%get3A_2, %get3A_3] : memref<400x16xf32, #tpu.memory_space<vmem>>, vector<400x16xf32>
    %add3A = arith.addf %get3A_1, %get3A_4 : vector<400x16xf32>
    %get3A_5 = arith.constant 0 : index
    %get3A_6 = arith.constant 0 : index
    %get3A_7 = vector.load %arg1[%get3A_5, %get3A_6] : memref<400x128xf32, #tpu.memory_space<vmem>>, vector<400x128xf32>
    %get3A_8 = arith.constant 0 : index
    %get3A_9 = arith.constant 0 : index
    %get3A_10 = vector.load %arg4[%get3A_8, %get3A_9] : memref<128x512xf32, #tpu.memory_space<vmem>>, vector<128x512xf32>
    %dot_general3A = arith.constant dense<0.000000e+00> : vector<400x512xf32>
    %dot_general3A_11 = tpu.matmul %get3A_7, %get3A_10, %dot_general3A {dimension_numbers = #tpu.dot_dimension_numbers<[1], [0], [0], [1], [0, 0, 1, 1], [], []>, transpose_lhs_hint = false} : vector<400x128xf32>, vector<128x512xf32>, vector<400x512xf32> -> vector<400x512xf32>
    %get3A_12 = arith.constant 0 : index
    %get3A_13 = arith.constant 0 : index
    %get3A_14 = vector.load %arg5[%get3A_12, %get3A_13] : memref<16x512xf32, #tpu.memory_space<vmem>>, vector<16x512xf32>
    %dot_general3A_15 = arith.constant dense<0.000000e+00> : vector<400x512xf32>
    %dot_general3A_16 = tpu.matmul %add3A, %get3A_14, %dot_general3A_15 {dimension_numbers = #tpu.dot_dimension_numbers<[1], [0], [0], [1], [0, 0, 1, 1], [], []>, transpose_lhs_hint = false} : vector<400x16xf32>, vector<16x512xf32>, vector<400x512xf32> -> vector<400x512xf32>
    %add3A_17 = arith.addf %dot_general3A_11, %dot_general3A_16 : vector<400x512xf32>
    %get3A_18 = arith.constant 0 : index
    %get3A_19 = arith.constant 0 : index
    %get3A_20 = vector.load %arg6[%get3A_18, %get3A_19] : memref<1x512xf32, #tpu.memory_space<vmem>>, vector<1x512xf32>
    %add3A_21 = vector.broadcast %get3A_20 : vector<1x512xf32> to vector<400x512xf32>
    %add3A_22 = arith.addf %add3A_17, %add3A_21 : vector<400x512xf32>
    %logistic3A = arith.negf %add3A_22 : vector<400x512xf32>
    %logistic3A_23 = math.exp %logistic3A : vector<400x512xf32>
    %logistic3A_24 = arith.constant 1.000000e+00 : f32
    %logistic3A_25 = vector.broadcast %logistic3A_24 : f32 to vector<400x512xf32>
    %logistic3A_26 = arith.addf %logistic3A_25, %logistic3A_23 : vector<400x512xf32>
    %logistic3A_27 = arith.divf %logistic3A_25, %logistic3A_26 : vector<400x512xf32>
    %mul3A = arith.mulf %add3A_22, %logistic3A_27 : vector<400x512xf32>
    %get3A_28 = arith.constant 0 : index
    %get3A_29 = arith.constant 0 : index
    %get3A_30 = vector.load %arg7[%get3A_28, %get3A_29] : memref<512x512xf32, #tpu.memory_space<vmem>>, vector<512x512xf32>
    %dot_general3A_31 = arith.constant dense<0.000000e+00> : vector<400x512xf32>
    %dot_general3A_32 = tpu.matmul %mul3A, %get3A_30, %dot_general3A_31 {dimension_numbers = #tpu.dot_dimension_numbers<[1], [0], [0], [1], [0, 0, 1, 1], [], []>, transpose_lhs_hint = false} : vector<400x512xf32>, vector<512x512xf32>, vector<400x512xf32> -> vector<400x512xf32>
    %get3A_33 = arith.constant 0 : index
    %get3A_34 = arith.constant 0 : index
    %get3A_35 = vector.load %arg8[%get3A_33, %get3A_34] : memref<1x512xf32, #tpu.memory_space<vmem>>, vector<1x512xf32>
    %add3A_36 = vector.broadcast %get3A_35 : vector<1x512xf32> to vector<400x512xf32>
    %add3A_37 = arith.addf %dot_general3A_32, %add3A_36 : vector<400x512xf32>
    %reduce_sum3A = arith.constant dense<0.000000e+00> : vector<400xf32>
    %reduce_sum3A_38 = vector.multi_reduction <add>, %add3A_37, %reduce_sum3A [1] : vector<400x512xf32> to vector<400xf32>
    %broadcast_in_dim3A = vector.shape_cast %reduce_sum3A_38 : vector<400xf32> to vector<400x1xf32>
    %div3A = arith.constant 5.120000e+02 : f32
    %div3A_39 = vector.broadcast %div3A : f32 to vector<400x1xf32>
    %div3A_40 = arith.divf %broadcast_in_dim3A, %div3A_39 : vector<400x1xf32>
    %sub3A = vector.broadcast %div3A_40 : vector<400x1xf32> to vector<400x512xf32>
    %sub3A_41 = arith.subf %add3A_37, %sub3A : vector<400x512xf32>
    %mul3A_42 = arith.mulf %sub3A_41, %sub3A_41 : vector<400x512xf32>
    %reduce_sum3A_43 = arith.constant dense<0.000000e+00> : vector<400xf32>
    %reduce_sum3A_44 = vector.multi_reduction <add>, %mul3A_42, %reduce_sum3A_43 [1] : vector<400x512xf32> to vector<400xf32>
    %broadcast_in_dim3A_45 = vector.shape_cast %reduce_sum3A_44 : vector<400xf32> to vector<400x1xf32>
    %div3A_46 = arith.constant 5.120000e+02 : f32
    %div3A_47 = vector.broadcast %div3A_46 : f32 to vector<400x1xf32>
    %div3A_48 = arith.divf %broadcast_in_dim3A_45, %div3A_47 : vector<400x1xf32>
    %add3A_49 = arith.constant 9.99999974E-6 : f32
    %add3A_50 = vector.broadcast %add3A_49 : f32 to vector<400x1xf32>
    %add3A_51 = arith.addf %div3A_48, %add3A_50 : vector<400x1xf32>
    %rsqrt3A = math.rsqrt %add3A_51 : vector<400x1xf32>
    %mul3A_52 = vector.broadcast %rsqrt3A : vector<400x1xf32> to vector<400x512xf32>
    %mul3A_53 = arith.mulf %sub3A_41, %mul3A_52 : vector<400x512xf32>
    %get3A_54 = arith.constant 0 : index
    %get3A_55 = arith.constant 0 : index
    %get3A_56 = vector.load %arg9[%get3A_54, %get3A_55] : memref<1x512xf32, #tpu.memory_space<vmem>>, vector<1x512xf32>
    %mul3A_57 = vector.broadcast %get3A_56 : vector<1x512xf32> to vector<400x512xf32>
    %mul3A_58 = arith.mulf %mul3A_53, %mul3A_57 : vector<400x512xf32>
    %get3A_59 = arith.constant 0 : index
    %get3A_60 = arith.constant 0 : index
    %get3A_61 = vector.load %arg10[%get3A_59, %get3A_60] : memref<1x512xf32, #tpu.memory_space<vmem>>, vector<1x512xf32>
    %add3A_62 = vector.broadcast %get3A_61 : vector<1x512xf32> to vector<400x512xf32>
    %add3A_63 = arith.addf %mul3A_58, %add3A_62 : vector<400x512xf32>
    %swap3A = arith.constant 0 : index
    %swap3A_64 = arith.constant 0 : index
    %swap3A_65 = vector.load %arg11[%swap3A, %swap3A_64] : memref<400x512xf32, #tpu.memory_space<vmem>>, vector<400x512xf32>
    tpu.vector_store %arg11[%swap3A, %swap3A_64], %add3A_63 {strides = array<i32>} : memref<400x512xf32, #tpu.memory_space<vmem>>, vector<400x512xf32>,
    return
  }
  func.func @transform_0(%arg0: i32) -> (i32, i32) {
    %c0_i32 = arith.constant 0 : i32
    %c0_i32_0 = arith.constant 0 : i32
    return %arg0, %c0_i32 : i32, i32
  }
  func.func @transform_1(%arg0: i32) -> (i32, i32) {
    %c0_i32 = arith.constant 0 : i32
    %c0_i32_0 = arith.constant 0 : i32
    return %arg0, %c0_i32 : i32, i32
  }
  func.func @transform_2(%arg0: i32) -> (i32, i32) {
    %c0_i32 = arith.constant 0 : i32
    %c0_i32_0 = arith.constant 0 : i32
    return %arg0, %c0_i32 : i32, i32
  }
  func.func @transform_3(%arg0: i32) -> (i32, i32) {
    %c0_i32 = arith.constant 0 : i32
    %c0_i32_0 = arith.constant 0 : i32
    %c0_i32_1 = arith.constant 0 : i32
    return %c0_i32, %c0_i32_0 : i32, i32
  }
  func.func @transform_4(%arg0: i32) -> (i32, i32) {
    %c0_i32 = arith.constant 0 : i32
    %c0_i32_0 = arith.constant 0 : i32
    %c0_i32_1 = arith.constant 0 : i32
    return %c0_i32, %c0_i32_0 : i32, i32
  }
  func.func @transform_5(%arg0: i32) -> (i32, i32) {
    %c0_i32 = arith.constant 0 : i32
    %c0_i32_0 = arith.constant 0 : i32
    %c0_i32_1 = arith.constant 0 : i32
    return %c0_i32, %c0_i32_0 : i32, i32
  }
  func.func @transform_6(%arg0: i32) -> (i32, i32) {
    %c0_i32 = arith.constant 0 : i32
    %c0_i32_0 = arith.constant 0 : i32
    %c0_i32_1 = arith.constant 0 : i32
    return %c0_i32, %c0_i32_0 : i32, i32
  }
  func.func @transform_7(%arg0: i32) -> (i32, i32) {
    %c0_i32 = arith.constant 0 : i32
    %c0_i32_0 = arith.constant 0 : i32
    %c0_i32_1 = arith.constant 0 : i32
    return %c0_i32, %c0_i32_0 : i32, i32
  }
  func.func @transform_8(%arg0: i32) -> (i32, i32) {
    %c0_i32 = arith.constant 0 : i32
    %c0_i32_0 = arith.constant 0 : i32
    %c0_i32_1 = arith.constant 0 : i32
    return %c0_i32, %c0_i32_0 : i32, i32
  }
  func.func @transform_9(%arg0: i32) -> (i32, i32) {
    %c0_i32 = arith.constant 0 : i32
    %c0_i32_0 = arith.constant 0 : i32
    %c0_i32_1 = arith.constant 0 : i32
    return %c0_i32, %c0_i32_0 : i32, i32
  }
  func.func @transform_10(%arg0: i32) -> (i32, i32) {
    %c0_i32 = arith.constant 0 : i32
    %c0_i32_0 = arith.constant 0 : i32
    return %arg0, %c0_i32 : i32, i32
  }
}

</mosaic_0001>

<sc_bundles>
// kernel: kernel.4.cloned.1.call-start
scs
__scs_entry_jumppad:
0x0: {  	(pc) =	sbr.rel $0x88, $3  }
0x1: {  	(tag) =	ssettag $0x0;
	lr =	simm.s32 $0x1  }
0x2: {  	[smem:$0x3F98] =	sst lr;
	_ =	strace $0xD0000000  }
0x3: {  	_ = 	snop  }
0x4: {  	_ = 	snop  }
0x5: {  	_ = 	snop  }
0x6: {  	_ = 	snop  }
0x7: {  	_ = 	snop  }
__scs_overlays_trampoline_lowered:
0x8: {  	[smem:$0x3FA7] =	sst s0  }
0x9: {  	[smem:$0x3FA8] =	sst s1  }
0xa: {  	[smem:$0x3FA9] =	sst s2  }
0xb: {  	[smem:$0x3FAA] =	sst s3  }
0xc: {  	[smem:$0x3FAB] =	sst s4  }
0xd: {  	[smem:$0x3FAC] =	sst s5  }
0xe: {  	[smem:$0x3FAD] =	sst s6  }
0xf: {  	[smem:$0x3FAE] =	sst s7  }
0x10: {  	[smem:$0x3FAF] =	sst s8  }
0x11: {  	[smem:$0x3FB0] =	sst s9;
	s0 =	simm.s32 @!p0 $0x0  }
0x12: {  	s1 =	sld [smem:$0x3F96];
	s0 =	simm.s32 @p0 $0x1  }
0x13: {  	[smem:$0x3FB1] =	sst s0;
	s0 =	simm.s32 @!p1 $0x0  }
0x14: {  	s2 =	sld [smem:$0x3F95];
	s0 =	simm.s32 @p1 $0x1  }
0x15: {  	[smem:$0x3FB2] =	sst s0;
	s0 =	simm.s32 @!p2 $0x0  }
0x16: {  	s3 =	sld [smem:$0x3FDB];
	s0 =	simm.s32 @p2 $0x1  }
0x17: {  	s4 =	simm.s32 $0x1BF5;
	[smem:$0x3FB4] =	sst s0  }
0x18: {  	s0 =	sld [smem:$0x3F97];
	_ =	swait.ge [sflag:s4], $0x0  }
0x19: {  	s7 =	sld [smem:$0x3F98]  }
0x1a: {  	s8 =	sadd.s32 $0xFFFFE003, lr  }
0x1b: {  	s9 =	sadd.s32 $0xFFFFFEF7, lr;
	s5 =	simm.s32 $0xFFFFFFFF;
	p2 =	slt.u32 s8, $0xFFFFF086  }
0x1c: {  	p1 =	slt.u32 s9, $0xF7A;
	s5 =	simm.s32 @!p2 $0x0  }
0x1d: {  	s5 =	simm.s32 @p1 $0x1;
	p0 =	seq.s32 s7, s2  }
0x1e: {  	s7 =	smul.u32 @!p0 $0xF7A, s2;
	p2 =	seq.s32 @!p0 s5, $0x0  }
0x1f: {  	s9 =	smul.u32 $0xF7A, s1;
	s8 =	simm.s32 @!p0 $0x1BF5;
	p2 =	por !p2, p0  }
0x20: {  	[sflag:s8] =	ssyncset.s32 @!p0 $0xFFFFF086;
	s6 =	sadd.s32 @!p0 s3, s7;
	s7 =	simm.s32 @!p0 $0x108  }
0x21: {  	s3 =	sadd.s32 s3, s9;
	s6 =	sadd.s32 @!p0 $0x88, s6;
	s7 =	simm.s32 @p2 $0x1082  }
0x22: {  	[simem:s7], [sflag:s8] =	dma.local @!p0 [hbm:s6], $0xF7A  }
0x23: {  	s9 =	sor.u32 $0xD0000000, s2;
	s6 =	simm.s32 $0x108;
	_ =	swait.ge @!p0 [sflag:s8], $0x0  }
0x24: {  	s3 =	sadd.s32 $0x88, s3;
	s6 =	simm.s32 @!p1 $0x1082;
	[sflag:s4] =	ssyncset.s32 $0xFFFFF086  }
0x25: {  	[simem:s6], [sflag:s4] =	dma.local [hbm:s3], $0xF7A  }
0x26: {  	[smem:$0x3F98] =	sst s1;
	(tag) =	ssettag s2;
	_ =	strace s9  }
0x27: {  	s1 =	sld [smem:$0x3FA8]  }
0x28: {  	s2 =	sld [smem:$0x3FA9]  }
0x29: {  	s4 =	sld [smem:$0x3FAB]  }
0x2a: {  	p0 =	seq.s32 s5, $0x0;
	s5 =	sld [smem:$0x3FAC]  }
0x2b: {  	s6 =	sld [smem:$0x3FAD]  }
0x2c: {  	s7 =	sld [smem:$0x3FAE]  }
0x2d: {  	s3 =	simm.s32 $0x108;
	s8 =	sld [smem:$0x3FAF]  }
0x2e: {  	s3 =	simm.s32 @!p0 $0x1082;
	s9 =	sld [smem:$0x3FB0]  }
0x2f: {  	lr =	sadd.s32 s0, s3;
	s0 =	sld [smem:$0x3FA7]  }
0x30: {  	s3 =	sld [smem:$0x3FAA]  }
0x31: {  	[smem:$0x3FB3] =	sst s10  }
0x32: {  	s10 =	sld [smem:$0x3FB1];
	_ =	sdelay $0x3  }
0x33: {  	p0 =	seq.s32 s10, $0x1;
	s10 =	sld [smem:$0x3FB3];
	_ =	sdelay $0x3  }
0x34: {  	[smem:$0x3FB3] =	sst s10  }
0x35: {  	s10 =	sld [smem:$0x3FB2];
	_ =	sdelay $0x3  }
0x36: {  	p1 =	seq.s32 s10, $0x1;
	s10 =	sld [smem:$0x3FB3];
	_ =	sdelay $0x3  }
0x37: {  	[smem:$0x3FB3] =	sst s10  }
0x38: {  	s10 =	sld [smem:$0x3FB4]  }
0x39: {  	_ = 	snop;
	(pc) =	sbr.ind lr, $3  }
0x3a: {  	_ = 	snop  }
0x3b: {  	_ = 	snop  }
0x3c: {  	p2 =	seq.s32 s10, $0x1;
	s10 =	sld [smem:$0x3FB3]  }
0x3d: {  	_ =	shalt  }
0x3e: {  	_ =	shalt  }
0x3f: {  	_ =	shalt  }
0x40: {  	_ =	shalt  }
0x41: {  	_ =	shalt  }
0x42: {  	_ =	shalt  }
0x43: {  	_ =	shalt  }
0x44: {  	_ =	shalt  }
0x45: {  	_ =	shalt  }
0x46: {  	_ =	shalt  }
0x47: {  	_ =	shalt  }
0x48: {  	_ =	shalt  }
0x49: {  	_ =	shalt  }
0x4a: {  	_ =	shalt  }
0x4b: {  	_ =	shalt  }
0x4c: {  	_ =	shalt  }
0x4d: {  	_ =	shalt  }
0x4e: {  	_ =	shalt  }
0x4f: {  	_ =	shalt  }
0x50: {  	_ =	shalt  }
0x51: {  	_ =	shalt  }
0x52: {  	_ =	shalt  }
0x53: {  	_ =	shalt  }
0x54: {  	_ =	shalt  }
0x55: {  	_ =	shalt  }
0x56: {  	_ =	shalt  }
0x57: {  	_ =	shalt  }
0x58: {  	_ =	shalt  }
0x59: {  	_ =	shalt  }
0x5a: {  	_ =	shalt  }
0x5b: {  	_ =	shalt  }
0x5c: {  	_ =	shalt  }
0x5d: {  	_ =	shalt  }
0x5e: {  	_ =	shalt  }
0x5f: {  	_ =	shalt  }
0x60: {  	_ =	shalt  }
0x61: {  	_ =	shalt  }
0x62: {  	_ =	shalt  }
0x63: {  	_ =	shalt  }
0x64: {  	_ =	shalt  }
0x65: {  	_ =	shalt  }
0x66: {  	_ =	shalt  }
0x67: {  	_ =	shalt  }
0x68: {  	_ =	shalt  }
0x69: {  	_ =	shalt  }
0x6a: {  	_ =	shalt  }
0x6b: {  	_ =	shalt  }
0x6c: {  	_ =	shalt  }
0x6d: {  	_ =	shalt  }
0x6e: {  	_ =	shalt  }
0x6f: {  	_ =	shalt  }
0x70: {  	_ =	shalt  }
0x71: {  	_ =	shalt  }
0x72: {  	_ =	shalt  }
0x73: {  	_ =	shalt  }
0x74: {  	_ =	shalt  }
0x75: {  	_ =	shalt  }
0x76: {  	_ =	shalt  }
0x77: {  	_ =	shalt  }
0x78: {  	_ =	shalt  }
0x79: {  	_ =	shalt  }
0x7a: {  	_ =	shalt  }
0x7b: {  	_ =	shalt  }
0x7c: {  	_ =	shalt  }
0x7d: {  	_ =	shalt  }
0x7e: {  	_ =	shalt  }
0x7f: {  	_ =	shalt  }
0x80: {  	_ =	shalt  }
0x81: {  	_ =	shalt  }
0x82: {  	_ =	shalt  }
0x83: {  	_ =	shalt  }
0x84: {  	_ =	shalt  }
0x85: {  	_ =	shalt  }
0x86: {  	_ =	shalt  }
0x87: {  	_ =	shalt  }
.Lfunc_end0:
.L_simem_size_0:
called_computation_lowered:
.L_overlay_start_0:
0x88: {  	s2 =	sld [smem:$0x3FD9]  }
0x89: {  	s3 =	sld [smem:$0x3FFE];
	_ =	sdelay $0x1  }
0x8a: {  	s1 =	srdreg.scid  }
0x8b: {  	s0 =	sand.u32 $0x1, s1  }
0x8c: {  	s17 =	sshll.u32 s0, $0xA;
	s2 =	sadd.s32 s3, s2  }
0x8d: {  	s2 =	sadd.s32 s2, s17  }
0x8e: {  	[smem:$0x3FBF] =	sst s2  }
0x8f: {  	_ = 	snop  }
0x90: {  	s2 =	sld [smem:$0x3FD0];
	(tm) =	ssettm $0x1  }
0x91: {  	s18 =	sld [smem:$0x3FFB];
	_ =	sdelay $0x3  }
0x92: {  	_ =	strace s18  }
0x93: {  	s3 =	sld [smem:$0x3FFC];
	_ =	sdelay $0x3  }
0x94: {  	_ =	strace s3  }
0x95: {  	s3 =	sld [smem:$0x3FFD];
	_ =	sdelay $0x3  }
0x96: {  	_ =	strace s3  }
0x97: {  	_ =	strace $0x8FFFFFFF  }
0x98: {  	s19 =	sld [smem:$0x3FDB];
	_ =	sdelay $0x1  }
0x99: {  	s4 =	simm.s32 $_scs_section_size  }
0x9a: {  	s5 =	simm.s32 $_size__tile_overlayer_lowered;
	s6 =	simm.s32 $_tile_overlayer_lowered  }
0x9b: {  	s22 =	simm.s32 $0x1BFF;
	s21 =	sshll.u32 s6, $0x1;
	s3 =	sadd.s32 s4, s19  }
0x9c: {  	s7 =	simm.s32 $0x0;
	s20 =	sshll.u32 s5, $0x1;
	s5 =	sadd.s32 s21, s3  }
0x9d: {  	[timem:s7], [sflag:s22] =	dma.local [hbm:s5], s20  }
0x9e: {  	_ =	swait.ge [sflag:s22], s20  }
0x9f: {  	s4 =	ssub.s32 $0x0, s20;
	[sflag:s22] =	ssyncset.done $0x0  }
0xa0: {  	[sflag:s22] =	ssyncadd.s32 s4;
	_ =	sdelay $0x1  }
0xa1: {  	s23 =	simm.s32 $0x1B8B  }
0xa2: {  	_ =	swait.ge [sflag:s23], $0x1  }
0xa3: {  	[sflag:s23] =	ssyncset.done $0x0  }
0xa4: {  	s25 =	simm.s32 $0x1B8E;
	s24 =	sld [smem:$0x3FFE];
	[sflag:s23] =	ssyncadd.s32 $0xFFFFFFFF  }
0xa5: {  	s26 =	simm.s32 $execute0_lowered;
	[smem:$0x3FD2] =	sst s25  }
0xa6: {  	s5 =	sshll.u32 s26, $0x1;
	_ =	strace $0x80000046;
	[dreg:$0x1] =	wrdreg $0xFFFFFFFF  }
0xa7: {  	s28 =	simm.s32 $_size_execute0_lowered;
	s3 =	sadd.s32 s3, s5;
	[dreg:$0x0] =	wrdreg $0x0  }
0xa8: {  	s5 =	sshll.u32 s28, $0x1;
	[dreg:$0x2] =	wrdreg s3  }
0xa9: {  	[dreg:$0x3] =	wrdreg s5  }
0xaa: {  	[dreg:$0x4] =	wrdreg $0xC0  }
0xab: {  	_ =	task [dreg:s7], $0x5FFFF  }
0xac: {  	[dreg:$0x1] =	wrdreg $0xFFFFFFFF  }
0xad: {  	[dreg:$0x0] =	wrdreg $0x60  }
0xae: {  	[dreg:$0x2] =	wrdreg s2  }
0xaf: {  	[dreg:$0x3] =	wrdreg s24  }
0xb0: {  	[dreg:$0x4] =	wrdreg $0x0  }
0xb1: {  	[dreg:$0x5] =	wrdreg $0x9  }
0xb2: {  	_ =	task.clear_ibuf [dreg:s7], $0x6FFFF;
	_ =	strace $0x90000046  }
0xb3: {  	s29 =	simm.s32 $0x9;
	_ =	strace $0x80000048  }
0xb4: {  	_ =	swait.ge [sflag:s29], $0x1  }
0xb5: {  	[sflag:s29] =	ssyncadd.s32 $0xFFFFFFFF  }
0xb6: {  	_ =	strace $0x90000048  }
0xb7: {  	_ =	sfence  }
0xb8: {  	s30 =	sld [smem:$0x0];
	_ =	sdelay $0x2  }
0xb9: {  	s31 =	sshll.u32 s1, $0xD;
	s1 =	sshrl.u32 s1, $0x2  }
0xba: {  	s3 =	sand.u32 $0x4000, s31;
	s1 =	sadd.s32 s1, s30  }
0xbb: {  	s0 =	sor.u32 s3, s0;
	s1 =	sshll.u32 s1, $0x11  }
0xbc: {  	s0 =	sor.u32 s1, s0  }
0xbd: {  	s0 =	sadd.s32 $0x8F2B, s0  }
0xbe: {  	[sflag:s0] =	ssyncadd.remote.s32 $0x1  }
0xbf: {  	_ =	sfence.sel $0xFFFF  }
0xc0: {  	[dreg:$0x0] =	wrdreg $0xFFFFFFFF;
	(pc) =	sbr.abs _section_cstart, $3  }
0xc1: {  	[dreg:$0x1] =	wrdreg $0xFFFFFFFF  }
0xc2: {  	_ =	task.clear_ibuf [dreg:s7], $0x2FFFF;
	_ =	strace $0x9FFFFFFF  }
0xc3: {  	(tm) =	ssettm $0x7FFFFFFF  }
tec
execute0_lowered:
.L_overlay_start_1:
0x0: {  	(tag) =	ssettag $0x1  }
0x1: {  	s9 =	rddreg [dreg:$0x0]  }
0x2: {  	s4 =	rddreg [dreg:$0x1]  }
0x3: {  	s2 =	rddreg [dreg:$0x2]  }
0x4: {  	s0 =	rddreg [dreg:$0x3];
	s3 =	srdreg.scid  }
0x5: {  	s1 =	stileid.u32;
	s14 =	simm.s32 $0x2800;
	s15 =	simm.s32 $0x4F10  }
0x6: {  	s16 =	simm.s32 $0x5410;
	s17 =	simm.s32 $0x1;
	s6 =	smul.u32 $0x500, s1  }
0x7: {  	s18 =	simm.s32 $0x50;
	s19 =	simm.s32 $0x2;
	s23 =	smul.u32 $0xA000, s1  }
0x8: {  	s20 =	simm.s32 $0x3;
	s7 =	sand.u32 $0x1, s3;
	s29 =	smul.u32 $0x9C40, s1  }
0x9: {  	s21 =	simm.s32 $0x4;
	s5 =	sshll.u32 s1, $0x1;
	s8 =	smul.u32 $0x5000, s7  }
0xa: {  	s3 =	simm.s32 $0x0;
	s5 =	sor.u32 s7, s5;
	s30 =	smul.u32 $0x4E20, s7  }
0xb: {  	s22 =	simm.s32 $0x4E20;
	[smem:$0x7FF] =	sst s3;
	s10 =	smul.u32 $0x4E2, s5  }
0xc: {  	s24 =	ssub.s32 $0x2, s7;
	_ =	strace $0x80000047;
	s12 =	smul.u32 $0x27100, s5  }
0xd: {  	s25 =	sshrl.u32 s24, $0x1;
	s26 =	smul.u32 $0x4E20, s5;
	s31 =	sadd.s32 s29, s9  }
0xe: {  	s6 =	sadd.s32 s6, s8;
	s8 =	sshrl.u32 s23, $0x2;
	s13 =	ssub.s32 s24, s25  }
0xf: {  	s23 =	simm.s32 $0x4E70;
	s24 =	simm.s32 $0x4EC0;
	s25 =	simm.s32 $0x0  }
0x10: {  	s10 =	sadd.s32 s10, s4;
	s11 =	sadd.s32 s6, s4;
	s4 =	sadd.s32 s8, s2  }
0x11: {  	s28 =	sshrl.u32 s12, $0x3;
	s6 =	sadd.s32 s9, s26;
	s12 =	simm.s32 $0x5910  }
0x12: {  	s5 =	sadd.s32 $0x1800, s10;
	s8 =	sadd.s32 s9, s28;
	s9 =	smax.u32 s13, $0x1  }
0x13: {  	s7 =	sadd.s32 $0xA0, s8;
	s8 =	sadd.s32 $0xB600, s11;
	s11 =	sadd.s32 s30, s31  }
0x14: {  	v0 =	vimm.f32 $0.0e+00;
	s10 =	sadd.s32 $0x4D80, s6;
	s13 =	simm.s32 $0x5;
	s11 =	sadd.s32 $0x1E0, s11  }
.LBB2_1:
0x15: {  	s26 =	simm.s32 $0x40;
	s28 =	simm.s32 $0x0  }
.LBB2_2:
0x16: {  	p0 =	sne.s32 s26, $0x9FC0;
	[tilespmem:s28+$0x5910] =	vst v0;
	s28 =	smov.u32 s26;
	s26 =	sadd.s32 $0x40, s26  }
.Ltmp0:
0x17: {  	(pc) =	sbr.rel @p0 .LBB2_2-.Ltmp0, $2  }
0x18: {  	_ =	sdelay $0x2  }
0x19: {  	s28 =	sshra.s32 s28, $0x2  }
0x1a: {  	[tilespmem:s28+$0x5910] =	vst v0  }
0x1b: {  	[spmem:s4] =	stream.linear.scatter [tilespmem:s12], [sflag:$0x5], $0x2800, $0x38;
	[tilespmem:$0x8110] =	vst v63  }
0x1c: {  	_ =	swait.ge [sflag:s13], $0x2800  }
0x1d: {  	[sflag:s13] =	ssyncset.done $0x0  }
0x1e: {  	s26 =	simm.s32 $0x0;
	[sflag:s13] =	ssyncadd.s32 $0xFFFFD800  }
0x1f: {  	[tilespmem:s14], [sflag:$0x5] =	stream.linear.gather [hbm4b:s5+s26], $0x2710, $0x38;
	[tilespmem:$0x8110] =	vst v63  }
0x20: {  	_ =	swait.ge [sflag:s13], $0x2710  }
0x21: {  	[sflag:s13] =	ssyncset.done $0x0  }
0x22: {  	[sflag:s13] =	ssyncadd.s32 $0xFFFFD8F0  }
0x23: {  	[bflag:$0x0] =	sbarrier.arrive $0xFFFF  }
0x24: {  	[tilespmem:s15], [sflag:$0x1] =	stream.linear.gather [hbm4b:s6+s26], $0x500, $0x38;
	[tilespmem:$0x8110] =	vst v63  }
0x25: {  	_ = 	snop  }
0x26: {  	[tilespmem:s16], [sflag:$0x2] =	stream.linear.gather [hbm4b:s7+s26], $0x500, $0x38;
	[tilespmem:$0x8110] =	vst v63  }
0x27: {  	_ =	swait.ge [sflag:s17], $0x500  }
0x28: {  	[sflag:s17] =	ssyncset.done $0x0  }
0x29: {  	s31 =	simm.s32 $0x2800;
	[sflag:s17] =	ssyncadd.s32 $0xFFFFFB00  }
0x2a: {  	[spmem:s2] =	stream.indirect.scatter.add.f32 [tilespmem:s15], [sflag:$0x3], $0x10, s31, s18, $0xb8;
	[tilespmem:$0x8110] =	vst v63  }
0x2b: {  	_ =	swait.ge [sflag:s19], $0x500  }
0x2c: {  	[sflag:s19] =	ssyncset.done $0x0  }
0x2d: {  	s30 =	simm.s32 $0x2850;
	[sflag:s19] =	ssyncadd.s32 $0xFFFFFB00  }
0x2e: {  	[spmem:s2] =	stream.indirect.scatter.add.f32 [tilespmem:s16], [sflag:$0x4], $0x10, s30, s18, $0xb8;
	[tilespmem:$0x8110] =	vst v63  }
0x2f: {  	_ =	swait.ge [sflag:s20], $0x500  }
0x30: {  	[sflag:s20] =	ssyncset.done $0x0  }
0x31: {  	s31 =	sadd.s32 $0xFFFFFF60, s11;
	[sflag:s20] =	ssyncadd.s32 $0xFFFFFB00  }
0x32: {  	[tilespmem:s15], [sflag:$0x1] =	stream.linear.gather [hbm4b:s31+s3], $0x500, $0x38;
	[tilespmem:$0x8110] =	vst v63  }
0x33: {  	_ =	swait.ge [sflag:s21], $0x500  }
0x34: {  	s28 =	sadd.s32 $0x140, s11;
	[sflag:s21] =	ssyncset.done $0x0  }
0x35: {  	s29 =	smov.u32 s11;
	s26 =	simm.s32 $0x280;
	[sflag:s21] =	ssyncadd.s32 $0xFFFFFB00  }
.LBB2_4:
0x36: {  	[tilespmem:s16], [sflag:$0x2] =	stream.linear.gather [hbm4b:s29+s3], $0x500, $0x38;
	[tilespmem:$0x8110] =	vst v63  }
0x37: {  	s30 =	smov.u32 s26;
	s29 =	smov.u32 s28  }
0x38: {  	p0 =	sne.s32 s26, $0x9600;
	s26 =	sadd.s32 $0x280, s26;
	_ =	swait.ge [sflag:s17], $0x500  }
0x39: {  	s30 =	sshra.s32 s30, $0x2;
	[sflag:s17] =	ssyncset.done $0x0  }
0x3a: {  	s31 =	sadd.s32 $0x2800, s30;
	[sflag:s17] =	ssyncadd.s32 $0xFFFFFB00  }
0x3b: {  	[spmem:s2] =	stream.indirect.scatter.add.f32 [tilespmem:s15], [sflag:$0x3], $0x10, s31, s18, $0xb8;
	[tilespmem:$0x8110] =	vst v63  }
0x3c: {  	_ =	swait.ge [sflag:s19], $0x500  }
0x3d: {  	[sflag:s19] =	ssyncset.done $0x0  }
0x3e: {  	s30 =	sadd.s32 $0x2850, s30;
	[sflag:s19] =	ssyncadd.s32 $0xFFFFFB00  }
0x3f: {  	[spmem:s2] =	stream.indirect.scatter.add.f32 [tilespmem:s16], [sflag:$0x4], $0x10, s30, s18, $0xb8;
	[tilespmem:$0x8110] =	vst v63  }
0x40: {  	_ =	swait.ge [sflag:s20], $0x500  }
0x41: {  	[sflag:s20] =	ssyncset.done $0x0  }
.Ltmp1:
0x42: {  	s30 =	sadd.s32 $0xFFFFFF60, s28;
	[sflag:s20] =	ssyncadd.s32 $0xFFFFFB00;
	(pc) =	sbr.rel @p0 .LBB2_4-.Ltmp1, $4  }
0x43: {  	[tilespmem:s15], [sflag:$0x1] =	stream.linear.gather [hbm4b:s30+s3], $0x500, $0x38;
	[tilespmem:$0x8110] =	vst v63  }
0x44: {  	_ =	swait.ge [sflag:s21], $0x500  }
0x45: {  	[sflag:s21] =	ssyncset.done $0x0  }
0x46: {  	s28 =	sadd.s32 $0x140, s28;
	[sflag:s21] =	ssyncadd.s32 $0xFFFFFB00  }
0x47: {  	[tilespmem:s16], [sflag:$0x2] =	stream.linear.gather [hbm4b:s29+s3], $0x500, $0x38;
	[tilespmem:$0x8110] =	vst v63  }
0x48: {  	_ =	swait.ge [sflag:s17], $0x500  }
0x49: {  	[sflag:s17] =	ssyncset.done $0x0  }
0x4a: {  	[sflag:s17] =	ssyncadd.s32 $0xFFFFFB00  }
0x4b: {  	[spmem:s2] =	stream.indirect.scatter.add.f32 [tilespmem:s15], [sflag:$0x3], $0x10, s22, s18, $0xb8;
	[tilespmem:$0x8110] =	vst v63  }
0x4c: {  	_ =	swait.ge [sflag:s19], $0x500  }
0x4d: {  	[sflag:s19] =	ssyncset.done $0x0  }
0x4e: {  	[sflag:s19] =	ssyncadd.s32 $0xFFFFFB00  }
0x4f: {  	[spmem:s2] =	stream.indirect.scatter.add.f32 [tilespmem:s16], [sflag:$0x4], $0x10, s23, s18, $0xb8;
	[tilespmem:$0x8110] =	vst v63  }
0x50: {  	_ =	swait.ge [sflag:s20], $0x500  }
0x51: {  	[sflag:s20] =	ssyncset.done $0x0  }
0x52: {  	[sflag:s20] =	ssyncadd.s32 $0xFFFFFB00  }
0x53: {  	[tilespmem:s15], [sflag:$0x1] =	stream.linear.gather [hbm4b:s10+s3], $0x500, $0x38;
	[tilespmem:$0x8110] =	vst v63  }
0x54: {  	_ =	swait.ge [sflag:s21], $0x500  }
0x55: {  	[sflag:s21] =	ssyncset.done $0x0  }
0x56: {  	[sflag:s21] =	ssyncadd.s32 $0xFFFFFB00  }
0x57: {  	_ =	swait.ge [sflag:s17], $0x500  }
0x58: {  	[sflag:s17] =	ssyncset.done $0x0  }
0x59: {  	[sflag:s17] =	ssyncadd.s32 $0xFFFFFB00  }
0x5a: {  	[spmem:s2] =	stream.indirect.scatter.add.f32 [tilespmem:s15], [sflag:$0x5], $0x10, s24, s18, $0xb8;
	[tilespmem:$0x8110] =	vst v63  }
0x5b: {  	_ =	swait.ge [sflag:s13], $0x500  }
0x5c: {  	s26 =	sshll.u32 s1, $0x6;
	s25 =	sadd.s32 $0x1, s25;
	[sflag:s13] =	ssyncset.done $0x0  }
0x5d: {  	s28 =	sshrl.u32 s4, $0x3;
	p0 =	sne.s32 s25, s9;
	[sflag:s13] =	ssyncadd.s32 $0xFFFFFB00  }
.Ltmp2:
0x5e: {  	s26 =	sor.u32 $0x1C05, s26;
	[bflag:$0x0] =	sbarrier.arrive $0xFFFF;
	(pc) =	sbr.rel @p0 .LBB2_1-.Ltmp2, $4  }
0x5f: {  	[hbm:s8], [sflag:s26] =	dma.local [spmem:s28], $0x500  }
0x60: {  	_ =	swait.ge [sflag:s13], $0x500  }
0x61: {  	[sflag:s13] =	ssyncset.done $0x0  }
0x62: {  	[sflag:s13] =	ssyncadd.s32 $0xFFFFFB00  }
0x63: {  	_ =	sfence.sel $0x180000  }
0x64: {  	[bflag:$0x0] =	sbarrier.arrive $0xFFFF  }
0x65: {  	p0 =	sne.s32 s1, $0x0;
	_ =	strace $0x90000047  }
0x66: {  	s0 =	sadd.s32 @!p0 $0x100000, s0;
	[bflag:$0x2] =	sbarrier.arrive $0xFFFF  }
0x67: {  	[sflag:s0] =	ssyncadd.tile.s32 @!p0 $0x1;
	_ =	shalt  }
.Lfunc_end2:
_tile_overlayer_lowered:
.L_overlay_start_2:
0x68: {  	(tag) =	ssettag $0x2  }
0x69: {  	s0 =	rddreg [dreg:$0x0];
	s2 =	stileid.u32  }
0x6a: {  	s1 =	rddreg [dreg:$0x1];
	p0 =	sne.s32 s2, $0x0  }
0x6b: {  	s3 =	rddreg [dreg:$0x2];
	[bflag:$0x3] =	sbarrier.arrive $0xFFFF;
	s2 =	simm.s32 @!p0 $0x1C05  }
0x6c: {  	[timem:s3], [sflag:s2] =	dma.local @!p0 [hbm:s0], s1  }
0x6d: {  	s0 =	simm.s32 @!p0 $0x5  }
0x6e: {  	_ =	swait.ge @!p0 [sflag:s0], s1  }
0x6f: {  	s1 =	ssub.s32 @!p0 $0x0, s1;
	[sflag:s0] =	ssyncset.done @!p0 $0x0  }
0x70: {  	[sflag:s0] =	ssyncadd.s32 @!p0 s1  }
0x71: {  	[bflag:$0x3] =	sbarrier.arrive $0xFFFF  }
0x72: {  	_ =	shalt  }

</sc_bundles>
